<compile_context>
chip_gen: v7x
topology: tpu7x:2x2x1
jax: 0.10.2.dev20260603
libtpu: 0.0.44.dev20260713+nightly
codegen_flags: <defaults>
</compile_context>

<pallas_src>
import functools
import math

import jax
import jax.numpy as jnp
from jax import lax
from jax.experimental import pallas as pl
from jax.experimental.pallas import tpu as pltpu
from jax.experimental.pallas import tpu_sc as plsc

D_MODEL = 64
SCALE = math.sqrt(D_MODEL)

NC = 2
NS = 16
NW = NC * NS
LANES = 16
NBUF = 4


@functools.partial(jax.jit, static_argnames=("n_seq", "seq_len"))
def _embed(idx_flat, tab_pad, *, n_seq, seq_len):
    seq_per_w = n_seq // NW
    n_idx_w = seq_per_w * seq_len
    mesh = plsc.VectorSubcoreMesh(core_axis_name="c", subcore_axis_name="s")

    @functools.partial(
        pl.kernel,
        mesh=mesh,
        out_type=jax.ShapeDtypeStruct((n_seq, seq_len, D_MODEL), jnp.float32),
        scratch_types=[
            pltpu.VMEM((n_idx_w,), jnp.int32),
            pltpu.VMEM((2, seq_len, 2 * D_MODEL), jnp.float32),
            pltpu.VMEM((2, seq_len, D_MODEL), jnp.float32),
            pltpu.SemaphoreType.DMA,
            *([pltpu.SemaphoreType.DMA] * 2),
            *([pltpu.SemaphoreType.DMA] * 2),
        ],
    )
    def k(idx_hbm, tab_hbm, out_hbm, idx_v, in_v, out_v, isem, gs0, gs1,
          ss0, ss1):
        gsem = (gs0, gs1)
        ssem = (ss0, ss1)
        wid = lax.axis_index("s") * NC + lax.axis_index("c")
        seq0 = wid * seq_per_w

        pltpu.async_copy(
            idx_hbm.at[pl.ds(seq0 * seq_len, n_idx_w)], idx_v, isem).wait()

        def gather(c, b):
            return pltpu.make_async_copy(
                tab_hbm.at[idx_v.at[pl.ds(c * seq_len, seq_len)]],
                in_v.at[b], gsem[b])

        def scatter(c, b):
            return pltpu.make_async_copy(
                out_v.at[b], out_hbm.at[seq0 + c], ssem[b])

        gather(0, 0).start()
        gather(1, 1).start()

        @pl.loop(0, seq_per_w, step=2)
        def _outer(t):
            for b in range(2):
                c = t + b
                gather(c, b).wait()

                @pl.when(c >= 2)
                def _drain():
                    scatter(c - 2, b).wait()

                src = in_v.at[b]
                dst = out_v.at[b]

                @pl.loop(0, seq_len)
                def _scale(r):
                    for j in range(D_MODEL // LANES):
                        sl = pl.ds(j * LANES, LANES)
                        dst[r, sl] = src[r, sl] * SCALE

                scatter(c, b).start()

                @pl.when(c + 2 < seq_per_w)
                def _prefetch():
                    gather(c + 2, b).start()

        for b in range(2):
            scatter(seq_per_w - 2 + b, b).wait()

    return k(idx_flat, tab_pad)


def kernel(input_ids, table):
    n_seq, seq_len = input_ids.shape
    idx_flat = input_ids.reshape(-1).astype(jnp.int32)
    tab_pad = jnp.pad(table, ((0, 0), (0, D_MODEL)))
    return _embed(idx_flat, tab_pad, n_seq=n_seq, seq_len=seq_len)

# --- scband reference (transcript-rebuilt; emitter-appended) ---
"""Pipeline reference for scband-input-embedding-2147483648018 (READ-ONLY COPY).

The authoritative reference and input builder live on the scoring server;
editing this copy changes nothing except your own understanding.
"""

import math
import jax, jax.numpy as jnp
import numpy as np

D_MODEL = 64
VOCAB_SIZE = 1000000

def setup_inputs(seed: int = 0) -> dict:
    key = jax.random.key(seed)
    k1, k2 = jax.random.split(key)
    table = jax.random.normal(k1, (VOCAB_SIZE, D_MODEL), dtype=jnp.float32)
    input_ids = jax.random.randint(k2, (4096, 200), 0, VOCAB_SIZE, dtype=jnp.int64)
    return {"input_ids": input_ids, "table": table}

def reference(input_ids, table):
    embeddings = jnp.take(table, input_ids, axis=0)
    normalized_embeddings = embeddings * math.sqrt(D_MODEL)
    return normalized_embeddings

if __name__ == "__main__":
    import jax
    _d = setup_inputs()
    print(jax.jit(kernel)(*tuple(_d.values())))

</pallas_src>

<mosaic_0001>
#map = affine_map<(d0, d1) -> (0)>
#map1 = affine_map<(d0, d1) -> (0, 0)>
#map2 = affine_map<(d0, d1) -> (0, 0, 0)>
module attributes {stable_mosaic.version = 14 : i64} {
  func.func @k(%arg0: i32, %arg1: i32, %arg2: memref<819200xi32, #tpu.memory_space<hbm>>, %arg3: memref<1000000x128xf32, #tpu.memory_space<hbm>>, %arg4: memref<4096x200x64xf32, #tpu.memory_space<hbm>>, %arg5: memref<25600xi32, #tpu.memory_space<vmem>>, %arg6: memref<2x200x128xf32, #tpu.memory_space<vmem>>, %arg7: memref<2x200x64xf32, #tpu.memory_space<vmem>>, %arg8: memref<!tpu.dma_semaphore, #tpu.memory_space<semaphore_mem>>, %arg9: memref<!tpu.dma_semaphore, #tpu.memory_space<semaphore_mem>>, %arg10: memref<!tpu.dma_semaphore, #tpu.memory_space<semaphore_mem>>, %arg11: memref<!tpu.dma_semaphore, #tpu.memory_space<semaphore_mem>>, %arg12: memref<!tpu.dma_semaphore, #tpu.memory_space<semaphore_mem>>) attributes {dimension_semantics = [#tpu.dimension_semantics<core_parallel>, #tpu.dimension_semantics<subcore_parallel>], iteration_bounds = array<i64: 2, 16>, scalar_prefetch = 0 : i64, scratch_operands = 8 : i64, tpu.core_type = #tpu.core_type<sc_vector_subcore>, window_params = [{transform_indices = #map}, {transform_indices = #map1}, {transform_indices = #map2}]} {
    %mul3A = arith.constant 2 : i32
    %mul3A_0 = arith.muli %arg1, %mul3A : i32
    %add3A = arith.addi %mul3A_0, %arg0 : i32
    %mul3A_1 = arith.constant 128 : i32
    %mul3A_2 = arith.muli %add3A, %mul3A_1 : i32
    %mul3A_3 = arith.constant 200 : i32
    %mul3A_4 = arith.muli %mul3A_2, %mul3A_3 : i32
    %dma_start3A = tpu.memref_slice %arg2[%mul3A_4] : memref<819200xi32, #tpu.memory_space<hbm>> -> memref<25600xi32, #tpu.memory_space<hbm>>
    %dma_start3A_5 = tpu.memref_slice %arg2[%mul3A_4] : memref<819200xi32, #tpu.memory_space<hbm>> -> memref<25600xi32, #tpu.memory_space<hbm>>
    tpu.enqueue_dma source(%dma_start3A_5 : memref<25600xi32, #tpu.memory_space<hbm>>) target(%arg5 : memref<25600xi32, #tpu.memory_space<vmem>>) target_semaphore(%arg8 : memref<!tpu.dma_semaphore, #tpu.memory_space<semaphore_mem>>)
    %dma_wait3A = tpu.memref_slice %arg2[%mul3A_4] : memref<819200xi32, #tpu.memory_space<hbm>> -> memref<25600xi32, #tpu.memory_space<hbm>>
    %dma_wait3A_6 = tpu.memref_slice %arg2[%mul3A_4] : memref<819200xi32, #tpu.memory_space<hbm>> -> memref<25600xi32, #tpu.memory_space<hbm>>
    tpu.wait_dma2 semaphore(%arg8 : memref<!tpu.dma_semaphore, #tpu.memory_space<semaphore_mem>>) src(%dma_wait3A_6 : memref<25600xi32, #tpu.memory_space<hbm>>) dst(%arg5 : memref<25600xi32, #tpu.memory_space<vmem>>)
    %dma_start3A_7 = arith.constant 0 : i32
    %dma_start3A_8 = arith.constant 0 : i32
    %dma_start3A_9 = arith.constant 0 : i32
    %dma_start3A_10 = tpu.memref_slice %arg6[%dma_start3A_7, %dma_start3A_8, %dma_start3A_9] : memref<2x200x128xf32, #tpu.memory_space<vmem>> -> memref<1x200x128xf32, #tpu.memory_space<vmem>>
    %dma_start3A_11 = tpu.memref_squeeze %dma_start3A_10 : memref<1x200x128xf32, #tpu.memory_space<vmem>> -> memref<200x128xf32, #tpu.memory_space<vmem>>
    %dma_start3A_12 = arith.constant 0 : i32
    %dma_start3A_13 = tpu.memref_slice %arg5[%dma_start3A_12] : memref<25600xi32, #tpu.memory_space<vmem>> -> memref<200xi32, #tpu.memory_space<vmem>>
    %dma_start3A_14 = arith.constant 0 : i32
    %dma_start3A_15 = arith.constant 0 : i32
    %dma_start3A_16 = tpu.memref_slice %arg3[%dma_start3A_14, %dma_start3A_15] : memref<1000000x128xf32, #tpu.memory_space<hbm>> -> memref<1000000x128xf32, #tpu.memory_space<hbm>>
    tpu.enqueue_indirect_dma source(%dma_start3A_16 : memref<1000000x128xf32, #tpu.memory_space<hbm>>) target(%dma_start3A_11 : memref<200x128xf32, #tpu.memory_space<vmem>>) offsets(%dma_start3A_13 : memref<200xi32, #tpu.memory_space<vmem>>) semaphore(%arg9 : memref<!tpu.dma_semaphore, #tpu.memory_space<semaphore_mem>>)
    %dma_start3A_17 = arith.constant 1 : i32
    %dma_start3A_18 = arith.constant 0 : i32
    %dma_start3A_19 = arith.constant 0 : i32
    %dma_start3A_20 = tpu.memref_slice %arg6[%dma_start3A_17, %dma_start3A_18, %dma_start3A_19] : memref<2x200x128xf32, #tpu.memory_space<vmem>> -> memref<1x200x128xf32, #tpu.memory_space<vmem>>
    %dma_start3A_21 = tpu.memref_squeeze %dma_start3A_20 : memref<1x200x128xf32, #tpu.memory_space<vmem>> -> memref<200x128xf32, #tpu.memory_space<vmem>>
    %dma_start3A_22 = arith.constant 200 : i32
    %dma_start3A_23 = tpu.memref_slice %arg5[%dma_start3A_22] : memref<25600xi32, #tpu.memory_space<vmem>> -> memref<200xi32, #tpu.memory_space<vmem>>
    %dma_start3A_24 = arith.constant 0 : i32
    %dma_start3A_25 = arith.constant 0 : i32
    %dma_start3A_26 = tpu.memref_slice %arg3[%dma_start3A_24, %dma_start3A_25] : memref<1000000x128xf32, #tpu.memory_space<hbm>> -> memref<1000000x128xf32, #tpu.memory_space<hbm>>
    tpu.enqueue_indirect_dma source(%dma_start3A_26 : memref<1000000x128xf32, #tpu.memory_space<hbm>>) target(%dma_start3A_21 : memref<200x128xf32, #tpu.memory_space<vmem>>) offsets(%dma_start3A_23 : memref<200xi32, #tpu.memory_space<vmem>>) semaphore(%arg10 : memref<!tpu.dma_semaphore, #tpu.memory_space<semaphore_mem>>)
    %scan3A = arith.constant 0 : i32
    %scan3A_27 = arith.constant 64 : i32
    %scan3A_28 = arith.addi %scan3A, %scan3A_27 : i32
    %scan3A_29 = arith.constant 1 : i32
    scf.for %scan3A_69 = %scan3A to %scan3A_28 step %scan3A_29  : i32 {
      %mul3A_70 = arith.constant 2 : i32
      %mul3A_71 = arith.muli %scan3A_69, %mul3A_70 : i32
      %add3A_72 = arith.constant 0 : i32
      %add3A_73 = arith.addi %add3A_72, %mul3A_71 : i32
      %add3A_74 = arith.constant 0 : i32
      %add3A_75 = arith.addi %add3A_73, %add3A_74 : i32
      %mul3A_76 = arith.constant 200 : i32
      %mul3A_77 = arith.muli %add3A_75, %mul3A_76 : i32
      %dma_wait3A_78 = arith.constant 0 : i32
      %dma_wait3A_79 = arith.constant 0 : i32
      %dma_wait3A_80 = arith.constant 0 : i32
      %dma_wait3A_81 = tpu.memref_slice %arg6[%dma_wait3A_78, %dma_wait3A_79, %dma_wait3A_80] : memref<2x200x128xf32, #tpu.memory_space<vmem>> -> memref<1x200x128xf32, #tpu.memory_space<vmem>>
      %dma_wait3A_82 = tpu.memref_squeeze %dma_wait3A_81 : memref<1x200x128xf32, #tpu.memory_space<vmem>> -> memref<200x128xf32, #tpu.memory_space<vmem>>
      %dma_wait3A_83 = tpu.memref_slice %arg5[%mul3A_77] : memref<25600xi32, #tpu.memory_space<vmem>> -> memref<200xi32, #tpu.memory_space<vmem>>
      %dma_wait3A_84 = arith.constant 0 : i32
      %dma_wait3A_85 = arith.constant 0 : i32
      %dma_wait3A_86 = tpu.memref_slice %arg3[%dma_wait3A_84, %dma_wait3A_85] : memref<1000000x128xf32, #tpu.memory_space<hbm>> -> memref<1000000x128xf32, #tpu.memory_space<hbm>>
      tpu.wait_indirect_dma semaphore(%arg9 : memref<!tpu.dma_semaphore, #tpu.memory_space<semaphore_mem>>) src(%dma_wait3A_86 : memref<1000000x128xf32, #tpu.memory_space<hbm>>) dst(%dma_wait3A_82 : memref<200x128xf32, #tpu.memory_space<vmem>>)
      %ge3A = arith.constant 2 : i32
      %ge3A_87 = arith.cmpi sge, %add3A_75, %ge3A : i32
      %convert_element_type3A = arith.extui %ge3A_87 : i1 to i32
      %cond3A = arith.constant 0 : i32
      %cond3A_88 = arith.cmpi ne, %convert_element_type3A, %cond3A : i32
      scf.if %cond3A_88 {
        %sub3A = arith.constant 2 : i32
        %sub3A_170 = arith.subi %add3A_75, %sub3A : i32
        %add3A_171 = arith.addi %mul3A_2, %sub3A_170 : i32
        %dma_wait3A_172 = arith.constant 0 : i32
        %dma_wait3A_173 = arith.constant 0 : i32
        %dma_wait3A_174 = arith.constant 0 : i32
        %dma_wait3A_175 = tpu.memref_slice %arg7[%dma_wait3A_172, %dma_wait3A_173, %dma_wait3A_174] : memref<2x200x64xf32, #tpu.memory_space<vmem>> -> memref<1x200x64xf32, #tpu.memory_space<vmem>>
        %dma_wait3A_176 = tpu.memref_squeeze %dma_wait3A_175 : memref<1x200x64xf32, #tpu.memory_space<vmem>> -> memref<200x64xf32, #tpu.memory_space<vmem>>
        %dma_wait3A_177 = arith.constant 0 : i32
        %dma_wait3A_178 = arith.constant 0 : i32
        %dma_wait3A_179 = tpu.memref_slice %arg4[%add3A_171, %dma_wait3A_177, %dma_wait3A_178] : memref<4096x200x64xf32, #tpu.memory_space<hbm>> -> memref<1x200x64xf32, #tpu.memory_space<hbm>>
        %dma_wait3A_180 = tpu.memref_squeeze %dma_wait3A_179 : memref<1x200x64xf32, #tpu.memory_space<hbm>> -> memref<200x64xf32, #tpu.memory_space<hbm>>
        %dma_wait3A_181 = arith.constant 0 : i32
        %dma_wait3A_182 = arith.constant 0 : i32
        %dma_wait3A_183 = tpu.memref_slice %arg4[%add3A_171, %dma_wait3A_181, %dma_wait3A_182] : memref<4096x200x64xf32, #tpu.memory_space<hbm>> -> memref<1x200x64xf32, #tpu.memory_space<hbm>>
        %dma_wait3A_184 = tpu.memref_squeeze %dma_wait3A_183 : memref<1x200x64xf32, #tpu.memory_space<hbm>> -> memref<200x64xf32, #tpu.memory_space<hbm>>
        %dma_wait3A_185 = arith.constant 0 : i32
        %dma_wait3A_186 = arith.constant 0 : i32
        %dma_wait3A_187 = tpu.memref_slice %arg7[%dma_wait3A_172, %dma_wait3A_185, %dma_wait3A_186] : memref<2x200x64xf32, #tpu.memory_space<vmem>> -> memref<1x200x64xf32, #tpu.memory_space<vmem>>
        %dma_wait3A_188 = tpu.memref_squeeze %dma_wait3A_187 : memref<1x200x64xf32, #tpu.memory_space<vmem>> -> memref<200x64xf32, #tpu.memory_space<vmem>>
        tpu.wait_dma2 semaphore(%arg11 : memref<!tpu.dma_semaphore, #tpu.memory_space<semaphore_mem>>) src(%dma_wait3A_188 : memref<200x64xf32, #tpu.memory_space<vmem>>) dst(%dma_wait3A_184 : memref<200x64xf32, #tpu.memory_space<hbm>>)
      } else {
      }
      %scan3A_89 = arith.constant 0 : i32
      %scan3A_90 = arith.constant 0 : i32
      %scan3A_91 = arith.constant 0 : i32
      %scan3A_92 = arith.constant 200 : i32
      %scan3A_93 = arith.addi %scan3A_91, %scan3A_92 : i32
      %scan3A_94 = arith.constant 1 : i32
      scf.for %scan3A_170 = %scan3A_91 to %scan3A_93 step %scan3A_94  : i32 {
        %mul3A_171 = arith.constant 1 : i32
        %mul3A_172 = arith.muli %scan3A_170, %mul3A_171 : i32
        %add3A_173 = arith.constant 0 : i32
        %add3A_174 = arith.addi %add3A_173, %mul3A_172 : i32
        %get3A = arith.constant 0 : i32
        %get3A_175 = arith.constant 0 : i32
        %get3A_176 = tpu.memref_slice %arg6[%scan3A_89, %get3A, %get3A_175] : memref<2x200x128xf32, #tpu.memory_space<vmem>> -> memref<1x200x128xf32, #tpu.memory_space<vmem>>
        %get3A_177 = tpu.memref_squeeze %get3A_176 : memref<1x200x128xf32, #tpu.memory_space<vmem>> -> memref<200x128xf32, #tpu.memory_space<vmem>>
        %get3A_178 = arith.index_cast %add3A_174 : i32 to index
        %get3A_179 = arith.constant 0 : index
        %get3A_180 = tpu.vector_load %get3A_177[%get3A_178, %get3A_179] {strides = array<i32>} : memref<200x128xf32, #tpu.memory_space<vmem>>, vector<1x16xf32>,
        %get3A_181 = vector.shape_cast %get3A_180 : vector<1x16xf32> to vector<16xf32>
        %mul3A_182 = arith.constant 8.000000e+00 : f32
        %mul3A_183 = vector.broadcast %mul3A_182 : f32 to vector<16xf32>
        %mul3A_184 = arith.mulf %get3A_181, %mul3A_183 : vector<16xf32>
        %swap3A = arith.constant 0 : i32
        %swap3A_185 = arith.constant 0 : i32
        %swap3A_186 = tpu.memref_slice %arg7[%scan3A_90, %swap3A, %swap3A_185] : memref<2x200x64xf32, #tpu.memory_space<vmem>> -> memref<1x200x64xf32, #tpu.memory_space<vmem>>
        %swap3A_187 = tpu.memref_squeeze %swap3A_186 : memref<1x200x64xf32, #tpu.memory_space<vmem>> -> memref<200x64xf32, #tpu.memory_space<vmem>>
        %swap3A_188 = arith.index_cast %add3A_174 : i32 to index
        %swap3A_189 = arith.constant 0 : index
        %swap3A_190 = tpu.vector_load %swap3A_187[%swap3A_188, %swap3A_189] {strides = array<i32>} : memref<200x64xf32, #tpu.memory_space<vmem>>, vector<1x16xf32>,
        %swap3A_191 = vector.shape_cast %swap3A_190 : vector<1x16xf32> to vector<16xf32>
        %swap3A_192 = vector.shape_cast %mul3A_184 : vector<16xf32> to vector<1x16xf32>
        tpu.vector_store %swap3A_187[%swap3A_188, %swap3A_189], %swap3A_192 {strides = array<i32>} : memref<200x64xf32, #tpu.memory_space<vmem>>, vector<1x16xf32>,
        %get3A_193 = arith.constant 0 : i32
        %get3A_194 = arith.constant 0 : i32
        %get3A_195 = tpu.memref_slice %arg6[%scan3A_89, %get3A_193, %get3A_194] : memref<2x200x128xf32, #tpu.memory_space<vmem>> -> memref<1x200x128xf32, #tpu.memory_space<vmem>>
        %get3A_196 = tpu.memref_squeeze %get3A_195 : memref<1x200x128xf32, #tpu.memory_space<vmem>> -> memref<200x128xf32, #tpu.memory_space<vmem>>
        %get3A_197 = arith.index_cast %add3A_174 : i32 to index
        %get3A_198 = arith.constant 16 : index
        %get3A_199 = tpu.vector_load %get3A_196[%get3A_197, %get3A_198] {strides = array<i32>} : memref<200x128xf32, #tpu.memory_space<vmem>>, vector<1x16xf32>,
        %get3A_200 = vector.shape_cast %get3A_199 : vector<1x16xf32> to vector<16xf32>
        %mul3A_201 = arith.constant 8.000000e+00 : f32
        %mul3A_202 = vector.broadcast %mul3A_201 : f32 to vector<16xf32>
        %mul3A_203 = arith.mulf %get3A_200, %mul3A_202 : vector<16xf32>
        %swap3A_204 = arith.constant 0 : i32
        %swap3A_205 = arith.constant 0 : i32
        %swap3A_206 = tpu.memref_slice %arg7[%scan3A_90, %swap3A_204, %swap3A_205] : memref<2x200x64xf32, #tpu.memory_space<vmem>> -> memref<1x200x64xf32, #tpu.memory_space<vmem>>
        %swap3A_207 = tpu.memref_squeeze %swap3A_206 : memref<1x200x64xf32, #tpu.memory_space<vmem>> -> memref<200x64xf32, #tpu.memory_space<vmem>>
        %swap3A_208 = arith.index_cast %add3A_174 : i32 to index
        %swap3A_209 = arith.constant 16 : index
        %swap3A_210 = tpu.vector_load %swap3A_207[%swap3A_208, %swap3A_209] {strides = array<i32>} : memref<200x64xf32, #tpu.memory_space<vmem>>, vector<1x16xf32>,
        %swap3A_211 = vector.shape_cast %swap3A_210 : vector<1x16xf32> to vector<16xf32>
        %swap3A_212 = vector.shape_cast %mul3A_203 : vector<16xf32> to vector<1x16xf32>
        tpu.vector_store %swap3A_207[%swap3A_208, %swap3A_209], %swap3A_212 {strides = array<i32>} : memref<200x64xf32, #tpu.memory_space<vmem>>, vector<1x16xf32>,
        %get3A_213 = arith.constant 0 : i32
        %get3A_214 = arith.constant 0 : i32
        %get3A_215 = tpu.memref_slice %arg6[%scan3A_89, %get3A_213, %get3A_214] : memref<2x200x128xf32, #tpu.memory_space<vmem>> -> memref<1x200x128xf32, #tpu.memory_space<vmem>>
        %get3A_216 = tpu.memref_squeeze %get3A_215 : memref<1x200x128xf32, #tpu.memory_space<vmem>> -> memref<200x128xf32, #tpu.memory_space<vmem>>
        %get3A_217 = arith.index_cast %add3A_174 : i32 to index
        %get3A_218 = arith.constant 32 : index
        %get3A_219 = tpu.vector_load %get3A_216[%get3A_217, %get3A_218] {strides = array<i32>} : memref<200x128xf32, #tpu.memory_space<vmem>>, vector<1x16xf32>,
        %get3A_220 = vector.shape_cast %get3A_219 : vector<1x16xf32> to vector<16xf32>
        %mul3A_221 = arith.constant 8.000000e+00 : f32
        %mul3A_222 = vector.broadcast %mul3A_221 : f32 to vector<16xf32>
        %mul3A_223 = arith.mulf %get3A_220, %mul3A_222 : vector<16xf32>
        %swap3A_224 = arith.constant 0 : i32
        %swap3A_225 = arith.constant 0 : i32
        %swap3A_226 = tpu.memref_slice %arg7[%scan3A_90, %swap3A_224, %swap3A_225] : memref<2x200x64xf32, #tpu.memory_space<vmem>> -> memref<1x200x64xf32, #tpu.memory_space<vmem>>
        %swap3A_227 = tpu.memref_squeeze %swap3A_226 : memref<1x200x64xf32, #tpu.memory_space<vmem>> -> memref<200x64xf32, #tpu.memory_space<vmem>>
        %swap3A_228 = arith.index_cast %add3A_174 : i32 to index
        %swap3A_229 = arith.constant 32 : index
        %swap3A_230 = tpu.vector_load %swap3A_227[%swap3A_228, %swap3A_229] {strides = array<i32>} : memref<200x64xf32, #tpu.memory_space<vmem>>, vector<1x16xf32>,
        %swap3A_231 = vector.shape_cast %swap3A_230 : vector<1x16xf32> to vector<16xf32>
        %swap3A_232 = vector.shape_cast %mul3A_223 : vector<16xf32> to vector<1x16xf32>
        tpu.vector_store %swap3A_227[%swap3A_228, %swap3A_229], %swap3A_232 {strides = array<i32>} : memref<200x64xf32, #tpu.memory_space<vmem>>, vector<1x16xf32>,
        %get3A_233 = arith.constant 0 : i32
        %get3A_234 = arith.constant 0 : i32
        %get3A_235 = tpu.memref_slice %arg6[%scan3A_89, %get3A_233, %get3A_234] : memref<2x200x128xf32, #tpu.memory_space<vmem>> -> memref<1x200x128xf32, #tpu.memory_space<vmem>>
        %get3A_236 = tpu.memref_squeeze %get3A_235 : memref<1x200x128xf32, #tpu.memory_space<vmem>> -> memref<200x128xf32, #tpu.memory_space<vmem>>
        %get3A_237 = arith.index_cast %add3A_174 : i32 to index
        %get3A_238 = arith.constant 48 : index
        %get3A_239 = tpu.vector_load %get3A_236[%get3A_237, %get3A_238] {strides = array<i32>} : memref<200x128xf32, #tpu.memory_space<vmem>>, vector<1x16xf32>,
        %get3A_240 = vector.shape_cast %get3A_239 : vector<1x16xf32> to vector<16xf32>
        %mul3A_241 = arith.constant 8.000000e+00 : f32
        %mul3A_242 = vector.broadcast %mul3A_241 : f32 to vector<16xf32>
        %mul3A_243 = arith.mulf %get3A_240, %mul3A_242 : vector<16xf32>
        %swap3A_244 = arith.constant 0 : i32
        %swap3A_245 = arith.constant 0 : i32
        %swap3A_246 = tpu.memref_slice %arg7[%scan3A_90, %swap3A_244, %swap3A_245] : memref<2x200x64xf32, #tpu.memory_space<vmem>> -> memref<1x200x64xf32, #tpu.memory_space<vmem>>
        %swap3A_247 = tpu.memref_squeeze %swap3A_246 : memref<1x200x64xf32, #tpu.memory_space<vmem>> -> memref<200x64xf32, #tpu.memory_space<vmem>>
        %swap3A_248 = arith.index_cast %add3A_174 : i32 to index
        %swap3A_249 = arith.constant 48 : index
        %swap3A_250 = tpu.vector_load %swap3A_247[%swap3A_248, %swap3A_249] {strides = array<i32>} : memref<200x64xf32, #tpu.memory_space<vmem>>, vector<1x16xf32>,
        %swap3A_251 = vector.shape_cast %swap3A_250 : vector<1x16xf32> to vector<16xf32>
        %swap3A_252 = vector.shape_cast %mul3A_243 : vector<16xf32> to vector<1x16xf32>
        tpu.vector_store %swap3A_247[%swap3A_248, %swap3A_249], %swap3A_252 {strides = array<i32>} : memref<200x64xf32, #tpu.memory_space<vmem>>, vector<1x16xf32>,
      }
      %scan3A_95 = arith.constant 200 : i32
      %add3A_96 = arith.addi %mul3A_2, %add3A_75 : i32
      %dma_start3A_97 = arith.constant 0 : i32
      %dma_start3A_98 = arith.constant 0 : i32
      %dma_start3A_99 = arith.constant 0 : i32
      %dma_start3A_100 = tpu.memref_slice %arg7[%dma_start3A_97, %dma_start3A_98, %dma_start3A_99] : memref<2x200x64xf32, #tpu.memory_space<vmem>> -> memref<1x200x64xf32, #tpu.memory_space<vmem>>
      %dma_start3A_101 = tpu.memref_squeeze %dma_start3A_100 : memref<1x200x64xf32, #tpu.memory_space<vmem>> -> memref<200x64xf32, #tpu.memory_space<vmem>>
      %dma_start3A_102 = arith.constant 0 : i32
      %dma_start3A_103 = arith.constant 0 : i32
      %dma_start3A_104 = tpu.memref_slice %arg4[%add3A_96, %dma_start3A_102, %dma_start3A_103] : memref<4096x200x64xf32, #tpu.memory_space<hbm>> -> memref<1x200x64xf32, #tpu.memory_space<hbm>>
      %dma_start3A_105 = tpu.memref_squeeze %dma_start3A_104 : memref<1x200x64xf32, #tpu.memory_space<hbm>> -> memref<200x64xf32, #tpu.memory_space<hbm>>
      %dma_start3A_106 = arith.constant 0 : i32
      %dma_start3A_107 = arith.constant 0 : i32
      %dma_start3A_108 = tpu.memref_slice %arg4[%add3A_96, %dma_start3A_106, %dma_start3A_107] : memref<4096x200x64xf32, #tpu.memory_space<hbm>> -> memref<1x200x64xf32, #tpu.memory_space<hbm>>
      %dma_start3A_109 = tpu.memref_squeeze %dma_start3A_108 : memref<1x200x64xf32, #tpu.memory_space<hbm>> -> memref<200x64xf32, #tpu.memory_space<hbm>>
      %dma_start3A_110 = arith.constant 0 : i32
      %dma_start3A_111 = arith.constant 0 : i32
      %dma_start3A_112 = tpu.memref_slice %arg7[%dma_start3A_97, %dma_start3A_110, %dma_start3A_111] : memref<2x200x64xf32, #tpu.memory_space<vmem>> -> memref<1x200x64xf32, #tpu.memory_space<vmem>>
      %dma_start3A_113 = tpu.memref_squeeze %dma_start3A_112 : memref<1x200x64xf32, #tpu.memory_space<vmem>> -> memref<200x64xf32, #tpu.memory_space<vmem>>
      tpu.enqueue_dma source(%dma_start3A_113 : memref<200x64xf32, #tpu.memory_space<vmem>>) target(%dma_start3A_109 : memref<200x64xf32, #tpu.memory_space<hbm>>) target_semaphore(%arg11 : memref<!tpu.dma_semaphore, #tpu.memory_space<semaphore_mem>>)
      %add3A_114 = arith.constant 2 : i32
      %add3A_115 = arith.addi %add3A_75, %add3A_114 : i32
      %lt3A = arith.constant 128 : i32
      %lt3A_116 = arith.cmpi slt, %add3A_115, %lt3A : i32
      %convert_element_type3A_117 = arith.extui %lt3A_116 : i1 to i32
      %cond3A_118 = arith.constant 0 : i32
      %cond3A_119 = arith.cmpi ne, %convert_element_type3A_117, %cond3A_118 : i32
      scf.if %cond3A_119 {
        %add3A_170 = arith.constant 2 : i32
        %add3A_171 = arith.addi %add3A_75, %add3A_170 : i32
        %mul3A_172 = arith.constant 200 : i32
        %mul3A_173 = arith.muli %add3A_171, %mul3A_172 : i32
        %dma_start3A_174 = arith.constant 0 : i32
        %dma_start3A_175 = arith.constant 0 : i32
        %dma_start3A_176 = arith.constant 0 : i32
        %dma_start3A_177 = tpu.memref_slice %arg6[%dma_start3A_174, %dma_start3A_175, %dma_start3A_176] : memref<2x200x128xf32, #tpu.memory_space<vmem>> -> memref<1x200x128xf32, #tpu.memory_space<vmem>>
        %dma_start3A_178 = tpu.memref_squeeze %dma_start3A_177 : memref<1x200x128xf32, #tpu.memory_space<vmem>> -> memref<200x128xf32, #tpu.memory_space<vmem>>
        %dma_start3A_179 = tpu.memref_slice %arg5[%mul3A_173] : memref<25600xi32, #tpu.memory_space<vmem>> -> memref<200xi32, #tpu.memory_space<vmem>>
        %dma_start3A_180 = arith.constant 0 : i32
        %dma_start3A_181 = arith.constant 0 : i32
        %dma_start3A_182 = tpu.memref_slice %arg3[%dma_start3A_180, %dma_start3A_181] : memref<1000000x128xf32, #tpu.memory_space<hbm>> -> memref<1000000x128xf32, #tpu.memory_space<hbm>>
        tpu.enqueue_indirect_dma source(%dma_start3A_182 : memref<1000000x128xf32, #tpu.memory_space<hbm>>) target(%dma_start3A_178 : memref<200x128xf32, #tpu.memory_space<vmem>>) offsets(%dma_start3A_179 : memref<200xi32, #tpu.memory_space<vmem>>) semaphore(%arg9 : memref<!tpu.dma_semaphore, #tpu.memory_space<semaphore_mem>>)
      } else {
      }
      %add3A_120 = arith.constant 1 : i32
      %add3A_121 = arith.addi %add3A_73, %add3A_120 : i32
      %mul3A_122 = arith.constant 200 : i32
      %mul3A_123 = arith.muli %add3A_121, %mul3A_122 : i32
      %dma_wait3A_124 = arith.constant 1 : i32
      %dma_wait3A_125 = arith.constant 0 : i32
      %dma_wait3A_126 = arith.constant 0 : i32
      %dma_wait3A_127 = tpu.memref_slice %arg6[%dma_wait3A_124, %dma_wait3A_125, %dma_wait3A_126] : memref<2x200x128xf32, #tpu.memory_space<vmem>> -> memref<1x200x128xf32, #tpu.memory_space<vmem>>
      %dma_wait3A_128 = tpu.memref_squeeze %dma_wait3A_127 : memref<1x200x128xf32, #tpu.memory_space<vmem>> -> memref<200x128xf32, #tpu.memory_space<vmem>>
      %dma_wait3A_129 = tpu.memref_slice %arg5[%mul3A_123] : memref<25600xi32, #tpu.memory_space<vmem>> -> memref<200xi32, #tpu.memory_space<vmem>>
      %dma_wait3A_130 = arith.constant 0 : i32
      %dma_wait3A_131 = arith.constant 0 : i32
      %dma_wait3A_132 = tpu.memref_slice %arg3[%dma_wait3A_130, %dma_wait3A_131] : memref<1000000x128xf32, #tpu.memory_space<hbm>> -> memref<1000000x128xf32, #tpu.memory_space<hbm>>
      tpu.wait_indirect_dma semaphore(%arg10 : memref<!tpu.dma_semaphore, #tpu.memory_space<semaphore_mem>>) src(%dma_wait3A_132 : memref<1000000x128xf32, #tpu.memory_space<hbm>>) dst(%dma_wait3A_128 : memref<200x128xf32, #tpu.memory_space<vmem>>)
      %ge3A_133 = arith.constant 2 : i32
      %ge3A_134 = arith.cmpi sge, %add3A_121, %ge3A_133 : i32
      %convert_element_type3A_135 = arith.extui %ge3A_134 : i1 to i32
      %cond3A_136 = arith.constant 0 : i32
      %cond3A_137 = arith.cmpi ne, %convert_element_type3A_135, %cond3A_136 : i32
      scf.if %cond3A_137 {
        %sub3A = arith.constant 2 : i32
        %sub3A_170 = arith.subi %add3A_121, %sub3A : i32
        %add3A_171 = arith.addi %mul3A_2, %sub3A_170 : i32
        %dma_wait3A_172 = arith.constant 1 : i32
        %dma_wait3A_173 = arith.constant 0 : i32
        %dma_wait3A_174 = arith.constant 0 : i32
        %dma_wait3A_175 = tpu.memref_slice %arg7[%dma_wait3A_172, %dma_wait3A_173, %dma_wait3A_174] : memref<2x200x64xf32, #tpu.memory_space<vmem>> -> memref<1x200x64xf32, #tpu.memory_space<vmem>>
        %dma_wait3A_176 = tpu.memref_squeeze %dma_wait3A_175 : memref<1x200x64xf32, #tpu.memory_space<vmem>> -> memref<200x64xf32, #tpu.memory_space<vmem>>
        %dma_wait3A_177 = arith.constant 0 : i32
        %dma_wait3A_178 = arith.constant 0 : i32
        %dma_wait3A_179 = tpu.memref_slice %arg4[%add3A_171, %dma_wait3A_177, %dma_wait3A_178] : memref<4096x200x64xf32, #tpu.memory_space<hbm>> -> memref<1x200x64xf32, #tpu.memory_space<hbm>>
        %dma_wait3A_180 = tpu.memref_squeeze %dma_wait3A_179 : memref<1x200x64xf32, #tpu.memory_space<hbm>> -> memref<200x64xf32, #tpu.memory_space<hbm>>
        %dma_wait3A_181 = arith.constant 0 : i32
        %dma_wait3A_182 = arith.constant 0 : i32
        %dma_wait3A_183 = tpu.memref_slice %arg4[%add3A_171, %dma_wait3A_181, %dma_wait3A_182] : memref<4096x200x64xf32, #tpu.memory_space<hbm>> -> memref<1x200x64xf32, #tpu.memory_space<hbm>>
        %dma_wait3A_184 = tpu.memref_squeeze %dma_wait3A_183 : memref<1x200x64xf32, #tpu.memory_space<hbm>> -> memref<200x64xf32, #tpu.memory_space<hbm>>
        %dma_wait3A_185 = arith.constant 0 : i32
        %dma_wait3A_186 = arith.constant 0 : i32
        %dma_wait3A_187 = tpu.memref_slice %arg7[%dma_wait3A_172, %dma_wait3A_185, %dma_wait3A_186] : memref<2x200x64xf32, #tpu.memory_space<vmem>> -> memref<1x200x64xf32, #tpu.memory_space<vmem>>
        %dma_wait3A_188 = tpu.memref_squeeze %dma_wait3A_187 : memref<1x200x64xf32, #tpu.memory_space<vmem>> -> memref<200x64xf32, #tpu.memory_space<vmem>>
        tpu.wait_dma2 semaphore(%arg12 : memref<!tpu.dma_semaphore, #tpu.memory_space<semaphore_mem>>) src(%dma_wait3A_188 : memref<200x64xf32, #tpu.memory_space<vmem>>) dst(%dma_wait3A_184 : memref<200x64xf32, #tpu.memory_space<hbm>>)
      } else {
      }
      %scan3A_138 = arith.constant 1 : i32
      %scan3A_139 = arith.constant 1 : i32
      %scan3A_140 = arith.constant 0 : i32
      %scan3A_141 = arith.constant 200 : i32
      %scan3A_142 = arith.addi %scan3A_140, %scan3A_141 : i32
      %scan3A_143 = arith.constant 1 : i32
      scf.for %scan3A_170 = %scan3A_140 to %scan3A_142 step %scan3A_143  : i32 {
        %mul3A_171 = arith.constant 1 : i32
        %mul3A_172 = arith.muli %scan3A_170, %mul3A_171 : i32
        %add3A_173 = arith.constant 0 : i32
        %add3A_174 = arith.addi %add3A_173, %mul3A_172 : i32
        %get3A = arith.constant 0 : i32
        %get3A_175 = arith.constant 0 : i32
        %get3A_176 = tpu.memref_slice %arg6[%scan3A_138, %get3A, %get3A_175] : memref<2x200x128xf32, #tpu.memory_space<vmem>> -> memref<1x200x128xf32, #tpu.memory_space<vmem>>
        %get3A_177 = tpu.memref_squeeze %get3A_176 : memref<1x200x128xf32, #tpu.memory_space<vmem>> -> memref<200x128xf32, #tpu.memory_space<vmem>>
        %get3A_178 = arith.index_cast %add3A_174 : i32 to index
        %get3A_179 = arith.constant 0 : index
        %get3A_180 = tpu.vector_load %get3A_177[%get3A_178, %get3A_179] {strides = array<i32>} : memref<200x128xf32, #tpu.memory_space<vmem>>, vector<1x16xf32>,
        %get3A_181 = vector.shape_cast %get3A_180 : vector<1x16xf32> to vector<16xf32>
        %mul3A_182 = arith.constant 8.000000e+00 : f32
        %mul3A_183 = vector.broadcast %mul3A_182 : f32 to vector<16xf32>
        %mul3A_184 = arith.mulf %get3A_181, %mul3A_183 : vector<16xf32>
        %swap3A = arith.constant 0 : i32
        %swap3A_185 = arith.constant 0 : i32
        %swap3A_186 = tpu.memref_slice %arg7[%scan3A_139, %swap3A, %swap3A_185] : memref<2x200x64xf32, #tpu.memory_space<vmem>> -> memref<1x200x64xf32, #tpu.memory_space<vmem>>
        %swap3A_187 = tpu.memref_squeeze %swap3A_186 : memref<1x200x64xf32, #tpu.memory_space<vmem>> -> memref<200x64xf32, #tpu.memory_space<vmem>>
        %swap3A_188 = arith.index_cast %add3A_174 : i32 to index
        %swap3A_189 = arith.constant 0 : index
        %swap3A_190 = tpu.vector_load %swap3A_187[%swap3A_188, %swap3A_189] {strides = array<i32>} : memref<200x64xf32, #tpu.memory_space<vmem>>, vector<1x16xf32>,
        %swap3A_191 = vector.shape_cast %swap3A_190 : vector<1x16xf32> to vector<16xf32>
        %swap3A_192 = vector.shape_cast %mul3A_184 : vector<16xf32> to vector<1x16xf32>
        tpu.vector_store %swap3A_187[%swap3A_188, %swap3A_189], %swap3A_192 {strides = array<i32>} : memref<200x64xf32, #tpu.memory_space<vmem>>, vector<1x16xf32>,
        %get3A_193 = arith.constant 0 : i32
        %get3A_194 = arith.constant 0 : i32
        %get3A_195 = tpu.memref_slice %arg6[%scan3A_138, %get3A_193, %get3A_194] : memref<2x200x128xf32, #tpu.memory_space<vmem>> -> memref<1x200x128xf32, #tpu.memory_space<vmem>>
        %get3A_196 = tpu.memref_squeeze %get3A_195 : memref<1x200x128xf32, #tpu.memory_space<vmem>> -> memref<200x128xf32, #tpu.memory_space<vmem>>
        %get3A_197 = arith.index_cast %add3A_174 : i32 to index
        %get3A_198 = arith.constant 16 : index
        %get3A_199 = tpu.vector_load %get3A_196[%get3A_197, %get3A_198] {strides = array<i32>} : memref<200x128xf32, #tpu.memory_space<vmem>>, vector<1x16xf32>,
        %get3A_200 = vector.shape_cast %get3A_199 : vector<1x16xf32> to vector<16xf32>
        %mul3A_201 = arith.constant 8.000000e+00 : f32
        %mul3A_202 = vector.broadcast %mul3A_201 : f32 to vector<16xf32>
        %mul3A_203 = arith.mulf %get3A_200, %mul3A_202 : vector<16xf32>
        %swap3A_204 = arith.constant 0 : i32
        %swap3A_205 = arith.constant 0 : i32
        %swap3A_206 = tpu.memref_slice %arg7[%scan3A_139, %swap3A_204, %swap3A_205] : memref<2x200x64xf32, #tpu.memory_space<vmem>> -> memref<1x200x64xf32, #tpu.memory_space<vmem>>
        %swap3A_207 = tpu.memref_squeeze %swap3A_206 : memref<1x200x64xf32, #tpu.memory_space<vmem>> -> memref<200x64xf32, #tpu.memory_space<vmem>>
        %swap3A_208 = arith.index_cast %add3A_174 : i32 to index
        %swap3A_209 = arith.constant 16 : index
        %swap3A_210 = tpu.vector_load %swap3A_207[%swap3A_208, %swap3A_209] {strides = array<i32>} : memref<200x64xf32, #tpu.memory_space<vmem>>, vector<1x16xf32>,
        %swap3A_211 = vector.shape_cast %swap3A_210 : vector<1x16xf32> to vector<16xf32>
        %swap3A_212 = vector.shape_cast %mul3A_203 : vector<16xf32> to vector<1x16xf32>
        tpu.vector_store %swap3A_207[%swap3A_208, %swap3A_209], %swap3A_212 {strides = array<i32>} : memref<200x64xf32, #tpu.memory_space<vmem>>, vector<1x16xf32>,
        %get3A_213 = arith.constant 0 : i32
        %get3A_214 = arith.constant 0 : i32
        %get3A_215 = tpu.memref_slice %arg6[%scan3A_138, %get3A_213, %get3A_214] : memref<2x200x128xf32, #tpu.memory_space<vmem>> -> memref<1x200x128xf32, #tpu.memory_space<vmem>>
        %get3A_216 = tpu.memref_squeeze %get3A_215 : memref<1x200x128xf32, #tpu.memory_space<vmem>> -> memref<200x128xf32, #tpu.memory_space<vmem>>
        %get3A_217 = arith.index_cast %add3A_174 : i32 to index
        %get3A_218 = arith.constant 32 : index
        %get3A_219 = tpu.vector_load %get3A_216[%get3A_217, %get3A_218] {strides = array<i32>} : memref<200x128xf32, #tpu.memory_space<vmem>>, vector<1x16xf32>,
        %get3A_220 = vector.shape_cast %get3A_219 : vector<1x16xf32> to vector<16xf32>
        %mul3A_221 = arith.constant 8.000000e+00 : f32
        %mul3A_222 = vector.broadcast %mul3A_221 : f32 to vector<16xf32>
        %mul3A_223 = arith.mulf %get3A_220, %mul3A_222 : vector<16xf32>
        %swap3A_224 = arith.constant 0 : i32
        %swap3A_225 = arith.constant 0 : i32
        %swap3A_226 = tpu.memref_slice %arg7[%scan3A_139, %swap3A_224, %swap3A_225] : memref<2x200x64xf32, #tpu.memory_space<vmem>> -> memref<1x200x64xf32, #tpu.memory_space<vmem>>
        %swap3A_227 = tpu.memref_squeeze %swap3A_226 : memref<1x200x64xf32, #tpu.memory_space<vmem>> -> memref<200x64xf32, #tpu.memory_space<vmem>>
        %swap3A_228 = arith.index_cast %add3A_174 : i32 to index
        %swap3A_229 = arith.constant 32 : index
        %swap3A_230 = tpu.vector_load %swap3A_227[%swap3A_228, %swap3A_229] {strides = array<i32>} : memref<200x64xf32, #tpu.memory_space<vmem>>, vector<1x16xf32>,
        %swap3A_231 = vector.shape_cast %swap3A_230 : vector<1x16xf32> to vector<16xf32>
        %swap3A_232 = vector.shape_cast %mul3A_223 : vector<16xf32> to vector<1x16xf32>
        tpu.vector_store %swap3A_227[%swap3A_228, %swap3A_229], %swap3A_232 {strides = array<i32>} : memref<200x64xf32, #tpu.memory_space<vmem>>, vector<1x16xf32>,
        %get3A_233 = arith.constant 0 : i32
        %get3A_234 = arith.constant 0 : i32
        %get3A_235 = tpu.memref_slice %arg6[%scan3A_138, %get3A_233, %get3A_234] : memref<2x200x128xf32, #tpu.memory_space<vmem>> -> memref<1x200x128xf32, #tpu.memory_space<vmem>>
        %get3A_236 = tpu.memref_squeeze %get3A_235 : memref<1x200x128xf32, #tpu.memory_space<vmem>> -> memref<200x128xf32, #tpu.memory_space<vmem>>
        %get3A_237 = arith.index_cast %add3A_174 : i32 to index
        %get3A_238 = arith.constant 48 : index
        %get3A_239 = tpu.vector_load %get3A_236[%get3A_237, %get3A_238] {strides = array<i32>} : memref<200x128xf32, #tpu.memory_space<vmem>>, vector<1x16xf32>,
        %get3A_240 = vector.shape_cast %get3A_239 : vector<1x16xf32> to vector<16xf32>
        %mul3A_241 = arith.constant 8.000000e+00 : f32
        %mul3A_242 = vector.broadcast %mul3A_241 : f32 to vector<16xf32>
        %mul3A_243 = arith.mulf %get3A_240, %mul3A_242 : vector<16xf32>
        %swap3A_244 = arith.constant 0 : i32
        %swap3A_245 = arith.constant 0 : i32
        %swap3A_246 = tpu.memref_slice %arg7[%scan3A_139, %swap3A_244, %swap3A_245] : memref<2x200x64xf32, #tpu.memory_space<vmem>> -> memref<1x200x64xf32, #tpu.memory_space<vmem>>
        %swap3A_247 = tpu.memref_squeeze %swap3A_246 : memref<1x200x64xf32, #tpu.memory_space<vmem>> -> memref<200x64xf32, #tpu.memory_space<vmem>>
        %swap3A_248 = arith.index_cast %add3A_174 : i32 to index
        %swap3A_249 = arith.constant 48 : index
        %swap3A_250 = tpu.vector_load %swap3A_247[%swap3A_248, %swap3A_249] {strides = array<i32>} : memref<200x64xf32, #tpu.memory_space<vmem>>, vector<1x16xf32>,
        %swap3A_251 = vector.shape_cast %swap3A_250 : vector<1x16xf32> to vector<16xf32>
        %swap3A_252 = vector.shape_cast %mul3A_243 : vector<16xf32> to vector<1x16xf32>
        tpu.vector_store %swap3A_247[%swap3A_248, %swap3A_249], %swap3A_252 {strides = array<i32>} : memref<200x64xf32, #tpu.memory_space<vmem>>, vector<1x16xf32>,
      }
      %scan3A_144 = arith.constant 200 : i32
      %add3A_145 = arith.addi %mul3A_2, %add3A_121 : i32
      %dma_start3A_146 = arith.constant 1 : i32
      %dma_start3A_147 = arith.constant 0 : i32
      %dma_start3A_148 = arith.constant 0 : i32
      %dma_start3A_149 = tpu.memref_slice %arg7[%dma_start3A_146, %dma_start3A_147, %dma_start3A_148] : memref<2x200x64xf32, #tpu.memory_space<vmem>> -> memref<1x200x64xf32, #tpu.memory_space<vmem>>
      %dma_start3A_150 = tpu.memref_squeeze %dma_start3A_149 : memref<1x200x64xf32, #tpu.memory_space<vmem>> -> memref<200x64xf32, #tpu.memory_space<vmem>>
      %dma_start3A_151 = arith.constant 0 : i32
      %dma_start3A_152 = arith.constant 0 : i32
      %dma_start3A_153 = tpu.memref_slice %arg4[%add3A_145, %dma_start3A_151, %dma_start3A_152] : memref<4096x200x64xf32, #tpu.memory_space<hbm>> -> memref<1x200x64xf32, #tpu.memory_space<hbm>>
      %dma_start3A_154 = tpu.memref_squeeze %dma_start3A_153 : memref<1x200x64xf32, #tpu.memory_space<hbm>> -> memref<200x64xf32, #tpu.memory_space<hbm>>
      %dma_start3A_155 = arith.constant 0 : i32
      %dma_start3A_156 = arith.constant 0 : i32
      %dma_start3A_157 = tpu.memref_slice %arg4[%add3A_145, %dma_start3A_155, %dma_start3A_156] : memref<4096x200x64xf32, #tpu.memory_space<hbm>> -> memref<1x200x64xf32, #tpu.memory_space<hbm>>
      %dma_start3A_158 = tpu.memref_squeeze %dma_start3A_157 : memref<1x200x64xf32, #tpu.memory_space<hbm>> -> memref<200x64xf32, #tpu.memory_space<hbm>>
      %dma_start3A_159 = arith.constant 0 : i32
      %dma_start3A_160 = arith.constant 0 : i32
      %dma_start3A_161 = tpu.memref_slice %arg7[%dma_start3A_146, %dma_start3A_159, %dma_start3A_160] : memref<2x200x64xf32, #tpu.memory_space<vmem>> -> memref<1x200x64xf32, #tpu.memory_space<vmem>>
      %dma_start3A_162 = tpu.memref_squeeze %dma_start3A_161 : memref<1x200x64xf32, #tpu.memory_space<vmem>> -> memref<200x64xf32, #tpu.memory_space<vmem>>
      tpu.enqueue_dma source(%dma_start3A_162 : memref<200x64xf32, #tpu.memory_space<vmem>>) target(%dma_start3A_158 : memref<200x64xf32, #tpu.memory_space<hbm>>) target_semaphore(%arg12 : memref<!tpu.dma_semaphore, #tpu.memory_space<semaphore_mem>>)
      %add3A_163 = arith.constant 2 : i32
      %add3A_164 = arith.addi %add3A_121, %add3A_163 : i32
      %lt3A_165 = arith.constant 128 : i32
      %lt3A_166 = arith.cmpi slt, %add3A_164, %lt3A_165 : i32
      %convert_element_type3A_167 = arith.extui %lt3A_166 : i1 to i32
      %cond3A_168 = arith.constant 0 : i32
      %cond3A_169 = arith.cmpi ne, %convert_element_type3A_167, %cond3A_168 : i32
      scf.if %cond3A_169 {
        %add3A_170 = arith.constant 2 : i32
        %add3A_171 = arith.addi %add3A_121, %add3A_170 : i32
        %mul3A_172 = arith.constant 200 : i32
        %mul3A_173 = arith.muli %add3A_171, %mul3A_172 : i32
        %dma_start3A_174 = arith.constant 1 : i32
        %dma_start3A_175 = arith.constant 0 : i32
        %dma_start3A_176 = arith.constant 0 : i32
        %dma_start3A_177 = tpu.memref_slice %arg6[%dma_start3A_174, %dma_start3A_175, %dma_start3A_176] : memref<2x200x128xf32, #tpu.memory_space<vmem>> -> memref<1x200x128xf32, #tpu.memory_space<vmem>>
        %dma_start3A_178 = tpu.memref_squeeze %dma_start3A_177 : memref<1x200x128xf32, #tpu.memory_space<vmem>> -> memref<200x128xf32, #tpu.memory_space<vmem>>
        %dma_start3A_179 = tpu.memref_slice %arg5[%mul3A_173] : memref<25600xi32, #tpu.memory_space<vmem>> -> memref<200xi32, #tpu.memory_space<vmem>>
        %dma_start3A_180 = arith.constant 0 : i32
        %dma_start3A_181 = arith.constant 0 : i32
        %dma_start3A_182 = tpu.memref_slice %arg3[%dma_start3A_180, %dma_start3A_181] : memref<1000000x128xf32, #tpu.memory_space<hbm>> -> memref<1000000x128xf32, #tpu.memory_space<hbm>>
        tpu.enqueue_indirect_dma source(%dma_start3A_182 : memref<1000000x128xf32, #tpu.memory_space<hbm>>) target(%dma_start3A_178 : memref<200x128xf32, #tpu.memory_space<vmem>>) offsets(%dma_start3A_179 : memref<200xi32, #tpu.memory_space<vmem>>) semaphore(%arg10 : memref<!tpu.dma_semaphore, #tpu.memory_space<semaphore_mem>>)
      } else {
      }
    }
    %scan3A_30 = arith.constant 64 : i32
    %add3A_31 = arith.constant 126 : i32
    %add3A_32 = arith.addi %mul3A_2, %add3A_31 : i32
    %dma_wait3A_33 = arith.constant 0 : i32
    %dma_wait3A_34 = arith.constant 0 : i32
    %dma_wait3A_35 = arith.constant 0 : i32
    %dma_wait3A_36 = tpu.memref_slice %arg7[%dma_wait3A_33, %dma_wait3A_34, %dma_wait3A_35] : memref<2x200x64xf32, #tpu.memory_space<vmem>> -> memref<1x200x64xf32, #tpu.memory_space<vmem>>
    %dma_wait3A_37 = tpu.memref_squeeze %dma_wait3A_36 : memref<1x200x64xf32, #tpu.memory_space<vmem>> -> memref<200x64xf32, #tpu.memory_space<vmem>>
    %dma_wait3A_38 = arith.constant 0 : i32
    %dma_wait3A_39 = arith.constant 0 : i32
    %dma_wait3A_40 = tpu.memref_slice %arg4[%add3A_32, %dma_wait3A_38, %dma_wait3A_39] : memref<4096x200x64xf32, #tpu.memory_space<hbm>> -> memref<1x200x64xf32, #tpu.memory_space<hbm>>
    %dma_wait3A_41 = tpu.memref_squeeze %dma_wait3A_40 : memref<1x200x64xf32, #tpu.memory_space<hbm>> -> memref<200x64xf32, #tpu.memory_space<hbm>>
    %dma_wait3A_42 = arith.constant 0 : i32
    %dma_wait3A_43 = arith.constant 0 : i32
    %dma_wait3A_44 = tpu.memref_slice %arg4[%add3A_32, %dma_wait3A_42, %dma_wait3A_43] : memref<4096x200x64xf32, #tpu.memory_space<hbm>> -> memref<1x200x64xf32, #tpu.memory_space<hbm>>
    %dma_wait3A_45 = tpu.memref_squeeze %dma_wait3A_44 : memref<1x200x64xf32, #tpu.memory_space<hbm>> -> memref<200x64xf32, #tpu.memory_space<hbm>>
    %dma_wait3A_46 = arith.constant 0 : i32
    %dma_wait3A_47 = arith.constant 0 : i32
    %dma_wait3A_48 = tpu.memref_slice %arg7[%dma_wait3A_33, %dma_wait3A_46, %dma_wait3A_47] : memref<2x200x64xf32, #tpu.memory_space<vmem>> -> memref<1x200x64xf32, #tpu.memory_space<vmem>>
    %dma_wait3A_49 = tpu.memref_squeeze %dma_wait3A_48 : memref<1x200x64xf32, #tpu.memory_space<vmem>> -> memref<200x64xf32, #tpu.memory_space<vmem>>
    tpu.wait_dma2 semaphore(%arg11 : memref<!tpu.dma_semaphore, #tpu.memory_space<semaphore_mem>>) src(%dma_wait3A_49 : memref<200x64xf32, #tpu.memory_space<vmem>>) dst(%dma_wait3A_45 : memref<200x64xf32, #tpu.memory_space<hbm>>)
    %add3A_50 = arith.constant 127 : i32
    %add3A_51 = arith.addi %mul3A_2, %add3A_50 : i32
    %dma_wait3A_52 = arith.constant 1 : i32
    %dma_wait3A_53 = arith.constant 0 : i32
    %dma_wait3A_54 = arith.constant 0 : i32
    %dma_wait3A_55 = tpu.memref_slice %arg7[%dma_wait3A_52, %dma_wait3A_53, %dma_wait3A_54] : memref<2x200x64xf32, #tpu.memory_space<vmem>> -> memref<1x200x64xf32, #tpu.memory_space<vmem>>
    %dma_wait3A_56 = tpu.memref_squeeze %dma_wait3A_55 : memref<1x200x64xf32, #tpu.memory_space<vmem>> -> memref<200x64xf32, #tpu.memory_space<vmem>>
    %dma_wait3A_57 = arith.constant 0 : i32
    %dma_wait3A_58 = arith.constant 0 : i32
    %dma_wait3A_59 = tpu.memref_slice %arg4[%add3A_51, %dma_wait3A_57, %dma_wait3A_58] : memref<4096x200x64xf32, #tpu.memory_space<hbm>> -> memref<1x200x64xf32, #tpu.memory_space<hbm>>
    %dma_wait3A_60 = tpu.memref_squeeze %dma_wait3A_59 : memref<1x200x64xf32, #tpu.memory_space<hbm>> -> memref<200x64xf32, #tpu.memory_space<hbm>>
    %dma_wait3A_61 = arith.constant 0 : i32
    %dma_wait3A_62 = arith.constant 0 : i32
    %dma_wait3A_63 = tpu.memref_slice %arg4[%add3A_51, %dma_wait3A_61, %dma_wait3A_62] : memref<4096x200x64xf32, #tpu.memory_space<hbm>> -> memref<1x200x64xf32, #tpu.memory_space<hbm>>
    %dma_wait3A_64 = tpu.memref_squeeze %dma_wait3A_63 : memref<1x200x64xf32, #tpu.memory_space<hbm>> -> memref<200x64xf32, #tpu.memory_space<hbm>>
    %dma_wait3A_65 = arith.constant 0 : i32
    %dma_wait3A_66 = arith.constant 0 : i32
    %dma_wait3A_67 = tpu.memref_slice %arg7[%dma_wait3A_52, %dma_wait3A_65, %dma_wait3A_66] : memref<2x200x64xf32, #tpu.memory_space<vmem>> -> memref<1x200x64xf32, #tpu.memory_space<vmem>>
    %dma_wait3A_68 = tpu.memref_squeeze %dma_wait3A_67 : memref<1x200x64xf32, #tpu.memory_space<vmem>> -> memref<200x64xf32, #tpu.memory_space<vmem>>
    tpu.wait_dma2 semaphore(%arg12 : memref<!tpu.dma_semaphore, #tpu.memory_space<semaphore_mem>>) src(%dma_wait3A_68 : memref<200x64xf32, #tpu.memory_space<vmem>>) dst(%dma_wait3A_64 : memref<200x64xf32, #tpu.memory_space<hbm>>)
    return
  }
}

</mosaic_0001>

<sc_bundles>
// kernel: _embed.3.cloned.1.call-start
scs
__scs_entry_jumppad:
0x0: {  	(pc) =	sbr.rel $0x88, $3  }
0x1: {  	(tag) =	ssettag $0x0;
	lr =	simm.s32 $0x1  }
0x2: {  	[smem:$0x3F9F] =	sst lr;
	_ =	strace $0xD0000000  }
0x3: {  	_ = 	snop  }
0x4: {  	_ = 	snop  }
0x5: {  	_ = 	snop  }
0x6: {  	_ = 	snop  }
0x7: {  	_ = 	snop  }
__scs_overlays_trampoline_lowered:
0x8: {  	[smem:$0x3FAE] =	sst s0  }
0x9: {  	[smem:$0x3FAF] =	sst s1  }
0xa: {  	[smem:$0x3FB0] =	sst s2  }
0xb: {  	[smem:$0x3FB1] =	sst s3  }
0xc: {  	[smem:$0x3FB2] =	sst s4  }
0xd: {  	[smem:$0x3FB3] =	sst s5  }
0xe: {  	[smem:$0x3FB4] =	sst s6  }
0xf: {  	[smem:$0x3FB5] =	sst s7  }
0x10: {  	[smem:$0x3FB6] =	sst s8  }
0x11: {  	[smem:$0x3FB7] =	sst s9;
	s0 =	simm.s32 @!p0 $0x0  }
0x12: {  	s1 =	sld [smem:$0x3F9D];
	s0 =	simm.s32 @p0 $0x1  }
0x13: {  	[smem:$0x3FB8] =	sst s0;
	s0 =	simm.s32 @!p1 $0x0  }
0x14: {  	s2 =	sld [smem:$0x3F9C];
	s0 =	simm.s32 @p1 $0x1  }
0x15: {  	[smem:$0x3FB9] =	sst s0;
	s0 =	simm.s32 @!p2 $0x0  }
0x16: {  	s3 =	sld [smem:$0x3FDB];
	s0 =	simm.s32 @p2 $0x1  }
0x17: {  	s4 =	simm.s32 $0x1BF5;
	[smem:$0x3FBB] =	sst s0  }
0x18: {  	s0 =	sld [smem:$0x3F9E];
	_ =	swait.ge [sflag:s4], $0x0  }
0x19: {  	s7 =	sld [smem:$0x3F9F]  }
0x1a: {  	s8 =	sadd.s32 $0xFFFFE003, lr  }
0x1b: {  	s9 =	sadd.s32 $0xFFFFFEF7, lr;
	s5 =	simm.s32 $0xFFFFFFFF;
	p2 =	slt.u32 s8, $0xFFFFF086  }
0x1c: {  	p1 =	slt.u32 s9, $0xF7A;
	s5 =	simm.s32 @!p2 $0x0  }
0x1d: {  	s5 =	simm.s32 @p1 $0x1;
	p0 =	seq.s32 s7, s2  }
0x1e: {  	s7 =	smul.u32 @!p0 $0xF7A, s2;
	p2 =	seq.s32 @!p0 s5, $0x0  }
0x1f: {  	s9 =	smul.u32 $0xF7A, s1;
	s8 =	simm.s32 @!p0 $0x1BF5;
	p2 =	por !p2, p0  }
0x20: {  	[sflag:s8] =	ssyncset.s32 @!p0 $0xFFFFF086;
	s6 =	sadd.s32 @!p0 s3, s7;
	s7 =	simm.s32 @!p0 $0x108  }
0x21: {  	s3 =	sadd.s32 s3, s9;
	s6 =	sadd.s32 @!p0 $0x88, s6;
	s7 =	simm.s32 @p2 $0x1082  }
0x22: {  	[simem:s7], [sflag:s8] =	dma.local @!p0 [hbm:s6], $0xF7A  }
0x23: {  	s9 =	sor.u32 $0xD0000000, s2;
	s6 =	simm.s32 $0x108;
	_ =	swait.ge @!p0 [sflag:s8], $0x0  }
0x24: {  	s3 =	sadd.s32 $0x88, s3;
	s6 =	simm.s32 @!p1 $0x1082;
	[sflag:s4] =	ssyncset.s32 $0xFFFFF086  }
0x25: {  	[simem:s6], [sflag:s4] =	dma.local [hbm:s3], $0xF7A  }
0x26: {  	[smem:$0x3F9F] =	sst s1;
	(tag) =	ssettag s2;
	_ =	strace s9  }
0x27: {  	s1 =	sld [smem:$0x3FAF]  }
0x28: {  	s2 =	sld [smem:$0x3FB0]  }
0x29: {  	s4 =	sld [smem:$0x3FB2]  }
0x2a: {  	p0 =	seq.s32 s5, $0x0;
	s5 =	sld [smem:$0x3FB3]  }
0x2b: {  	s6 =	sld [smem:$0x3FB4]  }
0x2c: {  	s7 =	sld [smem:$0x3FB5]  }
0x2d: {  	s3 =	simm.s32 $0x108;
	s8 =	sld [smem:$0x3FB6]  }
0x2e: {  	s3 =	simm.s32 @!p0 $0x1082;
	s9 =	sld [smem:$0x3FB7]  }
0x2f: {  	lr =	sadd.s32 s0, s3;
	s0 =	sld [smem:$0x3FAE]  }
0x30: {  	s3 =	sld [smem:$0x3FB1]  }
0x31: {  	[smem:$0x3FBA] =	sst s10  }
0x32: {  	s10 =	sld [smem:$0x3FB8];
	_ =	sdelay $0x3  }
0x33: {  	p0 =	seq.s32 s10, $0x1;
	s10 =	sld [smem:$0x3FBA];
	_ =	sdelay $0x3  }
0x34: {  	[smem:$0x3FBA] =	sst s10  }
0x35: {  	s10 =	sld [smem:$0x3FB9];
	_ =	sdelay $0x3  }
0x36: {  	p1 =	seq.s32 s10, $0x1;
	s10 =	sld [smem:$0x3FBA];
	_ =	sdelay $0x3  }
0x37: {  	[smem:$0x3FBA] =	sst s10  }
0x38: {  	s10 =	sld [smem:$0x3FBB]  }
0x39: {  	_ = 	snop;
	(pc) =	sbr.ind lr, $3  }
0x3a: {  	_ = 	snop  }
0x3b: {  	_ = 	snop  }
0x3c: {  	p2 =	seq.s32 s10, $0x1;
	s10 =	sld [smem:$0x3FBA]  }
0x3d: {  	_ =	shalt  }
0x3e: {  	_ =	shalt  }
0x3f: {  	_ =	shalt  }
0x40: {  	_ =	shalt  }
0x41: {  	_ =	shalt  }
0x42: {  	_ =	shalt  }
0x43: {  	_ =	shalt  }
0x44: {  	_ =	shalt  }
0x45: {  	_ =	shalt  }
0x46: {  	_ =	shalt  }
0x47: {  	_ =	shalt  }
0x48: {  	_ =	shalt  }
0x49: {  	_ =	shalt  }
0x4a: {  	_ =	shalt  }
0x4b: {  	_ =	shalt  }
0x4c: {  	_ =	shalt  }
0x4d: {  	_ =	shalt  }
0x4e: {  	_ =	shalt  }
0x4f: {  	_ =	shalt  }
0x50: {  	_ =	shalt  }
0x51: {  	_ =	shalt  }
0x52: {  	_ =	shalt  }
0x53: {  	_ =	shalt  }
0x54: {  	_ =	shalt  }
0x55: {  	_ =	shalt  }
0x56: {  	_ =	shalt  }
0x57: {  	_ =	shalt  }
0x58: {  	_ =	shalt  }
0x59: {  	_ =	shalt  }
0x5a: {  	_ =	shalt  }
0x5b: {  	_ =	shalt  }
0x5c: {  	_ =	shalt  }
0x5d: {  	_ =	shalt  }
0x5e: {  	_ =	shalt  }
0x5f: {  	_ =	shalt  }
0x60: {  	_ =	shalt  }
0x61: {  	_ =	shalt  }
0x62: {  	_ =	shalt  }
0x63: {  	_ =	shalt  }
0x64: {  	_ =	shalt  }
0x65: {  	_ =	shalt  }
0x66: {  	_ =	shalt  }
0x67: {  	_ =	shalt  }
0x68: {  	_ =	shalt  }
0x69: {  	_ =	shalt  }
0x6a: {  	_ =	shalt  }
0x6b: {  	_ =	shalt  }
0x6c: {  	_ =	shalt  }
0x6d: {  	_ =	shalt  }
0x6e: {  	_ =	shalt  }
0x6f: {  	_ =	shalt  }
0x70: {  	_ =	shalt  }
0x71: {  	_ =	shalt  }
0x72: {  	_ =	shalt  }
0x73: {  	_ =	shalt  }
0x74: {  	_ =	shalt  }
0x75: {  	_ =	shalt  }
0x76: {  	_ =	shalt  }
0x77: {  	_ =	shalt  }
0x78: {  	_ =	shalt  }
0x79: {  	_ =	shalt  }
0x7a: {  	_ =	shalt  }
0x7b: {  	_ =	shalt  }
0x7c: {  	_ =	shalt  }
0x7d: {  	_ =	shalt  }
0x7e: {  	_ =	shalt  }
0x7f: {  	_ =	shalt  }
0x80: {  	_ =	shalt  }
0x81: {  	_ =	shalt  }
0x82: {  	_ =	shalt  }
0x83: {  	_ =	shalt  }
0x84: {  	_ =	shalt  }
0x85: {  	_ =	shalt  }
0x86: {  	_ =	shalt  }
0x87: {  	_ =	shalt  }
.Lfunc_end0:
.L_simem_size_0:
called_computation_lowered:
.L_overlay_start_0:
0x88: {  	s2 =	sld [smem:$0x3FD9]  }
0x89: {  	s3 =	sld [smem:$0x3FFE];
	_ =	sdelay $0x1  }
0x8a: {  	s1 =	srdreg.scid  }
0x8b: {  	s0 =	sand.u32 $0x1, s1  }
0x8c: {  	s17 =	sshll.u32 s0, $0xA;
	s2 =	sadd.s32 s3, s2  }
0x8d: {  	s2 =	sadd.s32 s2, s17  }
0x8e: {  	[smem:$0x3FC6] =	sst s2  }
0x8f: {  	_ = 	snop  }
0x90: {  	s2 =	sld [smem:$0x3FC9]  }
0x91: {  	s18 =	sld [smem:$0x3FC8];
	(tm) =	ssettm $0x1  }
0x92: {  	s4 =	sld [smem:$0x3FFB];
	_ =	sdelay $0x3  }
0x93: {  	_ =	strace s4  }
0x94: {  	s4 =	sld [smem:$0x3FFC];
	_ =	sdelay $0x3  }
0x95: {  	_ =	strace s4  }
0x96: {  	s4 =	sld [smem:$0x3FFD];
	_ =	sdelay $0x3  }
0x97: {  	_ =	strace s4  }
0x98: {  	_ =	strace $0x8FFFFFFF  }
0x99: {  	s19 =	sld [smem:$0x3FDB];
	_ =	sdelay $0x1  }
0x9a: {  	s5 =	simm.s32 $_scs_section_size  }
0x9b: {  	s6 =	simm.s32 $_size__tile_overlayer_lowered;
	s7 =	simm.s32 $_tile_overlayer_lowered  }
0x9c: {  	s22 =	simm.s32 $0x1BFF;
	s21 =	sshll.u32 s7, $0x1;
	s4 =	sadd.s32 s5, s19  }
0x9d: {  	s8 =	simm.s32 $0x0;
	s20 =	sshll.u32 s6, $0x1;
	s6 =	sadd.s32 s21, s4  }
0x9e: {  	[timem:s8], [sflag:s22] =	dma.local [hbm:s6], s20  }
0x9f: {  	_ =	swait.ge [sflag:s22], s20  }
0xa0: {  	s5 =	ssub.s32 $0x0, s20;
	[sflag:s22] =	ssyncset.done $0x0  }
0xa1: {  	[sflag:s22] =	ssyncadd.s32 s5;
	_ =	sdelay $0x1  }
0xa2: {  	s23 =	simm.s32 $0x1B8B  }
0xa3: {  	_ =	swait.ge [sflag:s23], $0x1  }
0xa4: {  	[sflag:s23] =	ssyncset.done $0x0  }
0xa5: {  	s25 =	simm.s32 $0x1B8E;
	s24 =	sld [smem:$0x3FFE];
	[sflag:s23] =	ssyncadd.s32 $0xFFFFFFFF  }
0xa6: {  	s26 =	simm.s32 $execute0_lowered;
	[smem:$0x3FD2] =	sst s25  }
0xa7: {  	s6 =	sshll.u32 s26, $0x1;
	_ =	strace $0x80000046;
	[dreg:$0x1] =	wrdreg $0xFFFFFFFF  }
0xa8: {  	s28 =	simm.s32 $_size_execute0_lowered;
	s4 =	sadd.s32 s4, s6;
	[dreg:$0x0] =	wrdreg $0x0  }
0xa9: {  	s6 =	sshll.u32 s28, $0x1;
	[dreg:$0x2] =	wrdreg s4  }
0xaa: {  	[dreg:$0x3] =	wrdreg s6  }
0xab: {  	[dreg:$0x4] =	wrdreg $0xC0  }
0xac: {  	_ =	task [dreg:s8], $0x5FFFF  }
0xad: {  	[dreg:$0x1] =	wrdreg $0xFFFFFFFF  }
0xae: {  	[dreg:$0x0] =	wrdreg $0x60  }
0xaf: {  	[dreg:$0x2] =	wrdreg s2  }
0xb0: {  	[dreg:$0x3] =	wrdreg s18  }
0xb1: {  	[dreg:$0x4] =	wrdreg s24  }
0xb2: {  	[dreg:$0x5] =	wrdreg $0x9  }
0xb3: {  	_ =	task.clear_ibuf [dreg:s8], $0x6FFFF;
	_ =	strace $0x90000046  }
0xb4: {  	s29 =	simm.s32 $0x9;
	_ =	strace $0x80000048  }
0xb5: {  	_ =	swait.ge [sflag:s29], $0x1  }
0xb6: {  	[sflag:s29] =	ssyncadd.s32 $0xFFFFFFFF  }
0xb7: {  	_ =	strace $0x90000048  }
0xb8: {  	_ =	sfence  }
0xb9: {  	s30 =	sld [smem:$0x0];
	_ =	sdelay $0x2  }
0xba: {  	s31 =	sshll.u32 s1, $0xD;
	s1 =	sshrl.u32 s1, $0x2  }
0xbb: {  	s3 =	sand.u32 $0x4000, s31;
	s1 =	sadd.s32 s1, s30  }
0xbc: {  	s0 =	sor.u32 s3, s0;
	s1 =	sshll.u32 s1, $0x11  }
0xbd: {  	s0 =	sor.u32 s1, s0  }
0xbe: {  	s0 =	sadd.s32 $0x8F2B, s0  }
0xbf: {  	[sflag:s0] =	ssyncadd.remote.s32 $0x1  }
0xc0: {  	_ =	sfence.sel $0xFFFF  }
0xc1: {  	[dreg:$0x0] =	wrdreg $0xFFFFFFFF;
	(pc) =	sbr.abs _section_cstart, $3  }
0xc2: {  	[dreg:$0x1] =	wrdreg $0xFFFFFFFF  }
0xc3: {  	_ =	task.clear_ibuf [dreg:s8], $0x2FFFF;
	_ =	strace $0x9FFFFFFF  }
0xc4: {  	(tm) =	ssettm $0x7FFFFFFF  }
0xc5: {  	_ =	shalt  }
tec
execute0_lowered:
.L_overlay_start_1:
0x0: {  	(tag) =	ssettag $0x1  }
0x1: {  	s6 =	rddreg [dreg:$0x0]  }
0x2: {  	s2 =	rddreg [dreg:$0x1];
	s1 =	srdreg.scid  }
0x3: {  	s0 =	stileid.u32;
	s4 =	rddreg [dreg:$0x2]  }
0x4: {  	s3 =	simm.s32 $0x0;
	s10 =	simm.s32 $0x6400;
	s11 =	simm.s32 $0xC800  }
0x5: {  	s12 =	simm.s32 $0x2;
	s13 =	simm.s32 $0x12C00;
	s14 =	simm.s32 $0x3  }
0x6: {  	s15 =	simm.s32 $0x19000;
	s16 =	simm.s32 $0x4;
	s17 =	simm.s32 $0x5  }
0x7: {  	s18 =	simm.s32 $0x0;
	s5 =	sand.u32 $0x1, s1;
	s7 =	sshll.u32 s0, $0x1  }
.Ltmp0:
0x8: {  	s1 =	rddreg [dreg:$0x3];
	s7 =	sor.u32 s5, s7;
	(pc) =	sbr.rel .LBB2_1-.Ltmp0, $4  }
0x9: {  	[smem:$0x7FF] =	sst s3;
	s5 =	ssub.s32 $0x2, s5;
	s8 =	smul.u32 $0xC80, s7  }
0xa: {  	s4 =	sadd.s32 $0x400, s4;
	_ =	strace $0x80000047;
	s9 =	sshrl.u32 s5, $0x1  }
0xb: {  	s9 =	ssub.s32 s5, s9;
	s5 =	sshll.u32 s7, $0x7;
	s6 =	sadd.s32 s6, s8  }
0xc: {  	s7 =	smax.u32 s9, $0x1;
	s8 =	simm.s32 $0x1;
	s9 =	simm.s32 $0xC8  }
.LBB2_8:
0xd: {  	s18 =	sadd.s32 $0x1, s18  }
0xe: {  	_ =	swait.ge [sflag:s16], $0x6400;
	p0 =	sne.s32 s18, s7  }
.Ltmp1:
0xf: {  	[sflag:s16] =	ssyncset.done $0x0;
	(pc) =	sbr.rel @!p0 .LBB2_9-.Ltmp1, $4  }
0x10: {  	[sflag:s16] =	ssyncadd.s32 $0xFFFF9C00  }
0x11: {  	_ =	swait.ge [sflag:s17], $0x6400  }
0x12: {  	[sflag:s17] =	ssyncset.done $0x0  }
0x13: {  	[sflag:s17] =	ssyncadd.s32 $0xFFFF9C00  }
.LBB2_1:
0x14: {  	[tilespmem:s3], [sflag:$0x1] =	stream.linear.gather [hbm4b:s6+s3], $0x6400, $0x38;
	[tilespmem:$0x1F400] =	vst v63  }
0x15: {  	_ =	swait.ge [sflag:s8], $0x6400  }
0x16: {  	[sflag:s8] =	ssyncset.done $0x0  }
0x17: {  	[sflag:s8] =	ssyncadd.s32 $0xFFFF9C00  }
0x18: {  	[tilespmem:s10], [sflag:$0x2] =	stream.indirect.gather [hbm4b:s2+s9], $0x80, s3, s9, $0xb8;
	[tilespmem:$0x1F400] =	vst v63  }
0x19: {  	s19 =	simm.s32 $0x0  }
0x1a: {  	[tilespmem:s11], [sflag:$0x3] =	stream.indirect.gather [hbm4b:s2+s9], $0x80, s9, s9, $0xb8;
	[tilespmem:$0x1F400] =	vst v63  }
.LBB2_2:
0x1b: {  	_ =	swait.ge [sflag:s12], $0x6400  }
0x1c: {  	p0 =	seq.s32 s19, $0x0;
	[sflag:s12] =	ssyncset.done $0x0  }
0x1d: {  	s20 =	simm.s32 @!p0 $0x4;
	[sflag:s12] =	ssyncadd.s32 $0xFFFF9C00  }
0x1e: {  	_ =	swait.ge @!p0 [sflag:s20], $0x6400  }
0x1f: {  	[sflag:s20] =	ssyncset.done @!p0 $0x0  }
0x20: {  	s21 =	simm.s32 $0x0;
	[sflag:s20] =	ssyncadd.s32 @!p0 $0xFFFF9C00  }
0x21: {  	v1 =	vld [tilespmem:s21+$0x6430]  }
0x22: {  	v2 =	vld [tilespmem:s21+$0x6400]  }
0x23: {  	v3 =	vld [tilespmem:s21+$0x6410]  }
0x24: {  	v0 =	vld [tilespmem:s21+$0x6420]  }
0x25: {  	s22 =	simm.s32 $0x200;
	s20 =	sshll.u32 s19, $0x1  }
.LBB2_3:
0x26: {  	s23 =	sshra.s32 s22, $0x2;
	p1 =	sne.s32 s22, $0x18E00;
	s22 =	sadd.s32 $0x200, s22;
	v4 =	vmul.f32 $8.000000000e+00, v1  }
.Ltmp2:
0x27: {  	v1 =	vld [tilespmem:s23+$0x6430];
	v5 =	vmul.f32 $8.000000000e+00, v2;
	(pc) =	sbr.rel @p1 .LBB2_3-.Ltmp2, $4  }
0x28: {  	v2 =	vld [tilespmem:s23+$0x6400];
	v6 =	vmul.f32 $8.000000000e+00, v3;
	[tilespmem:s21+$0x12C30] =	vst v4  }
0x29: {  	v3 =	vld [tilespmem:s23+$0x6410];
	[tilespmem:s21+$0x12C00] =	vst v5;
	v4 =	vmul.f32 $8.000000000e+00, v0  }
0x2a: {  	v0 =	vld [tilespmem:s23+$0x6420];
	[tilespmem:s21+$0x12C10] =	vst v6  }
0x2b: {  	[tilespmem:s21+$0x12C20] =	vst v4;
	s21 =	smov.u32 s23  }
0x2c: {  	v1 =	vmul.f32 $8.000000000e+00, v1;
	s22 =	sadd.s32 s5, s20  }
0x2d: {  	v2 =	vmul.f32 $8.000000000e+00, v2;
	s22 =	smul.u32 $0xC80, s22  }
0x2e: {  	p1 =	seq.s32 s19, $0x3F;
	v3 =	vmul.f32 $8.000000000e+00, v3;
	[tilespmem:s21+$0x12C30] =	vst v1  }
0x2f: {  	[tilespmem:s21+$0x12C00] =	vst v2;
	v0 =	vmul.f32 $8.000000000e+00, v0;
	s31 =	sadd.s32 s4, s22;
	s22 =	smul.u32 @!p1 $0x640, s19  }
0x30: {  	[tilespmem:s21+$0x12C10] =	vst v3  }
0x31: {  	[tilespmem:s21+$0x12C20] =	vst v0;
	s21 =	sshra.s32 @!p1 s22, $0x2  }
0x32: {  	[hbm4b:s31+s3] =	stream.linear.scatter [tilespmem:s13], [sflag:$0x4], $0x6400, $0x38;
	[tilespmem:$0x1F400] =	vst v63  }
0x33: {  	s23 =	simm.s32 @!p1 $0x6400;
	s22 =	simm.s32 @!p1 $0xC8;
	s21 =	sadd.s32 @!p1 $0x190, s21  }
0x34: {  	[tilespmem:s23], [sflag:$0x2] =	stream.indirect.gather @!p1 [hbm4b:s2+s22], $0x80, s21, s22, $0xb8;
	[tilespmem:$0x1F400] =	vst v63  }
0x35: {  	_ =	swait.ge [sflag:s14], $0x6400  }
0x36: {  	[sflag:s14] =	ssyncset.done $0x0  }
0x37: {  	s21 =	simm.s32 @!p0 $0x5;
	[sflag:s14] =	ssyncadd.s32 $0xFFFF9C00  }
0x38: {  	_ =	swait.ge @!p0 [sflag:s21], $0x6400  }
0x39: {  	[sflag:s21] =	ssyncset.done @!p0 $0x0  }
0x3a: {  	[sflag:s21] =	ssyncadd.s32 @!p0 $0xFFFF9C00;
	s21 =	simm.s32 $0x0  }
0x3b: {  	v1 =	vld [tilespmem:s21+$0xC830]  }
0x3c: {  	v2 =	vld [tilespmem:s21+$0xC800]  }
0x3d: {  	v3 =	vld [tilespmem:s21+$0xC810]  }
0x3e: {  	v0 =	vld [tilespmem:s21+$0xC820]  }
0x3f: {  	s20 =	sor.u32 $0x1, s20;
	s22 =	simm.s32 $0x200  }
.LBB2_5:
0x40: {  	s23 =	sshra.s32 s22, $0x2;
	p0 =	sne.s32 s22, $0x18E00;
	s22 =	sadd.s32 $0x200, s22;
	v4 =	vmul.f32 $8.000000000e+00, v1  }
.Ltmp3:
0x41: {  	v1 =	vld [tilespmem:s23+$0xC830];
	v5 =	vmul.f32 $8.000000000e+00, v2;
	(pc) =	sbr.rel @p0 .LBB2_5-.Ltmp3, $4  }
0x42: {  	v2 =	vld [tilespmem:s23+$0xC800];
	v6 =	vmul.f32 $8.000000000e+00, v3;
	[tilespmem:s21+$0x19030] =	vst v4  }
0x43: {  	v3 =	vld [tilespmem:s23+$0xC810];
	[tilespmem:s21+$0x19000] =	vst v5;
	v4 =	vmul.f32 $8.000000000e+00, v0  }
0x44: {  	v0 =	vld [tilespmem:s23+$0xC820];
	[tilespmem:s21+$0x19010] =	vst v6  }
0x45: {  	[tilespmem:s21+$0x19020] =	vst v4;
	s21 =	smov.u32 s23  }
0x46: {  	v1 =	vmul.f32 $8.000000000e+00, v1  }
0x47: {  	v2 =	vmul.f32 $8.000000000e+00, v2  }
.Ltmp4:
0x48: {  	s20 =	sadd.s32 s5, s20;
	v3 =	vmul.f32 $8.000000000e+00, v3;
	[tilespmem:s21+$0x19030] =	vst v1;
	(pc) =	sbr.rel @p1 .LBB2_8-.Ltmp4, $4  }
0x49: {  	s20 =	smul.u32 $0xC80, s20;
	[tilespmem:s21+$0x19000] =	vst v2;
	v0 =	vmul.f32 $8.000000000e+00, v0  }
0x4a: {  	[tilespmem:s21+$0x19010] =	vst v3  }
0x4b: {  	s20 =	sadd.s32 s4, s20;
	[tilespmem:s21+$0x19020] =	vst v0  }
0x4c: {  	[hbm4b:s20+s3] =	stream.linear.scatter [tilespmem:s15], [sflag:$0x5], $0x6400, $0x38;
	[tilespmem:$0x1F400] =	vst v63  }
0x4d: {  	s20 =	smul.u32 $0x640, s19  }
.Ltmp5:
0x4e: {  	_ = 	snop;
	(pc) =	sbr.rel .LBB2_2-.Ltmp5, $4  }
0x4f: {  	_ = 	snop  }
0x50: {  	s20 =	sshra.s32 s20, $0x2  }
0x51: {  	s19 =	sadd.s32 $0x1, s19;
	s20 =	sadd.s32 $0x258, s20  }
0x52: {  	[tilespmem:s11], [sflag:$0x3] =	stream.indirect.gather [hbm4b:s2+s9], $0x80, s20, s9, $0xb8;
	[tilespmem:$0x1F400] =	vst v63  }
.LBB2_9:
0x53: {  	_ =	sfence.sel $0x180000  }
0x54: {  	[bflag:$0x0] =	sbarrier.arrive $0xFFFF  }
0x55: {  	p0 =	sne.s32 s0, $0x0;
	_ =	strace $0x90000047  }
0x56: {  	s0 =	sadd.s32 @!p0 $0x100000, s1;
	[bflag:$0x2] =	sbarrier.arrive $0xFFFF  }
0x57: {  	[sflag:s0] =	ssyncadd.tile.s32 @!p0 $0x1;
	_ =	shalt  }
.Lfunc_end2:
_tile_overlayer_lowered:
.L_overlay_start_2:
0x58: {  	(tag) =	ssettag $0x2  }
0x59: {  	s0 =	rddreg [dreg:$0x0];
	s2 =	stileid.u32  }
0x5a: {  	s1 =	rddreg [dreg:$0x1];
	p0 =	sne.s32 s2, $0x0  }
0x5b: {  	s3 =	rddreg [dreg:$0x2];
	[bflag:$0x3] =	sbarrier.arrive $0xFFFF;
	s2 =	simm.s32 @!p0 $0x1C06  }
0x5c: {  	[timem:s3], [sflag:s2] =	dma.local @!p0 [hbm:s0], s1  }
0x5d: {  	s0 =	simm.s32 @!p0 $0x6  }
0x5e: {  	_ =	swait.ge @!p0 [sflag:s0], s1  }
0x5f: {  	s1 =	ssub.s32 @!p0 $0x0, s1;
	[sflag:s0] =	ssyncset.done @!p0 $0x0  }
0x60: {  	[sflag:s0] =	ssyncadd.s32 @!p0 s1  }
0x61: {  	[bflag:$0x3] =	sbarrier.arrive $0xFFFF  }
0x62: {  	_ =	shalt  }

</sc_bundles>
